<compile_context>
chip_gen: v7x
topology: tpu7x:2x2x1
jax: 0.10.2.dev20260603
libtpu: 0.0.44.dev20260713+nightly
codegen_flags: <defaults>
</compile_context>

<pallas_src>
import functools

import jax
import jax.numpy as jnp
from jax.experimental import pallas as pl
from jax.experimental.pallas import tpu as pltpu

_C1 = 2.0 * 1.4426950408889634


def _body(logits_ref, uniform_ref, out_ref, p_ref):
    k = pl.program_id(1)

    @pl.when(k == 0)
    def _():
        p_ref[...] = jnp.exp2(_C1 * logits_ref[...])

    u = uniform_ref[...]
    l2u = jnp.log2(u)
    t = l2u * l2u
    e = p_ref[...] / t
    s = jnp.sum(e, axis=(2, 3), keepdims=True)
    y = e * (1.0 / s)

    @pl.when(k == 0)
    def _():
        out_ref[...] = y

    @pl.when(k > 0)
    def _():
        out_ref[...] = jnp.maximum(out_ref[...], y)


def kernel(logits, uniform):
    B, _, D = logits.shape
    K = uniform.shape[1]
    NB = 8
    DS = D // 128
    l4 = logits.reshape(B, 1, DS, 128)
    u4 = uniform.reshape(B, K, DS, 128)
    out = pl.pallas_call(
        _body,
        grid=(B // NB, K),
        in_specs=[
            pl.BlockSpec((NB, 1, DS, 128), lambda b, k: (b, 0, 0, 0)),
            pl.BlockSpec((NB, 1, DS, 128), lambda b, k: (b, k, 0, 0)),
        ],
        out_specs=pl.BlockSpec((NB, 1, DS, 128), lambda b, k: (b, 0, 0, 0)),
        out_shape=jax.ShapeDtypeStruct((B, 1, DS, 128), jnp.float32),
        scratch_shapes=[pltpu.VMEM((NB, 1, DS, 128), jnp.float32)],
        compiler_params=pltpu.CompilerParams(
            dimension_semantics=("arbitrary", "arbitrary"),
        ),
    )(l4, u4)
    return out.reshape(B, 1, D)

# --- scband reference (transcript-rebuilt; emitter-appended) ---
"""Pipeline reference for scband-sample-concrete-37263136260124 (READ-ONLY COPY).

The authoritative reference and input builder live on the scoring server;
editing this copy changes nothing except your own understanding.
"""

import jax, jax.numpy as jnp
import numpy as np

TAU0 = 0.5
K_SEL = 10
TRAINING = True  # K.in_train_phase: training path = relaxed Gumbel-softmax samples


def setup_inputs(seed: int = 0) -> dict:
    key = jax.random.key(seed)
    k1, k2 = jax.random.split(key)
    logits = jax.random.normal(k1, (64, 1, 32768), dtype=jnp.float32)
    # Uniform noise in (tiny, 1.0) exactly like K.random_uniform_variable(low=tiny, high=1.0).
    # Treated as an explicit input so the reference is deterministic.
    uniform = jax.random.uniform(
        k2, (64, K_SEL, 32768), dtype=jnp.float32,
        minval=float(np.finfo(np.float32).tiny), maxval=1.0)
    return {"logits": logits, "uniform": uniform}


def reference(logits, uniform):
    d = logits.shape[2]
    # --- training branch: concrete / Gumbel-softmax relaxation ---
    gumbel = -jnp.log(-jnp.log(uniform))                  # [B, k, d]
    noisy_logits = (gumbel + logits) / TAU0               # broadcast [B,1,d] -> [B,k,d]
    samples = jax.nn.softmax(noisy_logits, axis=-1)       # K.softmax over last axis
    samples = jnp.max(samples, axis=1)                    # [B, d]
    # --- inference branch: hard top-k mask ---
    logits2 = jnp.reshape(logits, (-1, d))                # [B, d]
    topv, _ = jax.lax.top_k(logits2, K_SEL)               # sorted descending
    threshold = topv[:, -1][:, None]                      # k-th largest per row
    discrete_logits = (logits2 >= threshold).astype(jnp.float32)
    output = samples if TRAINING else discrete_logits
    return jnp.expand_dims(output, -2)                    # [B, 1, d]

if __name__ == "__main__":
    import jax
    _d = setup_inputs()
    print(jax.jit(kernel)(*tuple(_d.values())))

</pallas_src>

<mosaic_0001>
module attributes {stable_mosaic.version = 14 : i64} {
  func.func @_body(%arg0: i32, %arg1: i32, %arg2: memref<8x1x256x128xf32, #tpu.memory_space<vmem>>, %arg3: memref<8x1x256x128xf32, #tpu.memory_space<vmem>>, %arg4: memref<8x1x256x128xf32, #tpu.memory_space<vmem>>, %arg5: memref<8x1x256x128xf32, #tpu.memory_space<vmem>>) attributes {dimension_semantics = [#tpu.dimension_semantics<arbitrary>, #tpu.dimension_semantics<arbitrary>], iteration_bounds = array<i64: 8, 10>, scalar_prefetch = 0 : i64, scratch_operands = 1 : i64, tpu.core_type = #tpu.core_type<tc>, window_params = [{transform_indices = @transform_0, window_bounds = array<i64: 8, 1, 256, 128>}, {transform_indices = @transform_1, window_bounds = array<i64: 8, 1, 256, 128>}, {transform_indices = @transform_2, window_bounds = array<i64: 8, 1, 256, 128>}]} {
    %eq3A = arith.constant 0 : i32
    %eq3A_0 = arith.cmpi eq, %arg1, %eq3A : i32
    %convert_element_type3A = arith.extui %eq3A_0 : i1 to i32
    %cond3A = arith.constant 0 : i32
    %cond3A_1 = arith.cmpi ne, %convert_element_type3A, %cond3A : i32
    scf.if %cond3A_1 {
      %get3A_30 = arith.constant 0 : index
      %get3A_31 = arith.constant 0 : index
      %get3A_32 = arith.constant 0 : index
      %get3A_33 = arith.constant 0 : index
      %get3A_34 = vector.load %arg2[%get3A_30, %get3A_31, %get3A_32, %get3A_33] : memref<8x1x256x128xf32, #tpu.memory_space<vmem>>, vector<8x1x256x128xf32>
      %mul3A_35 = arith.constant 2.885390e+00 : f32
      %mul3A_36 = vector.broadcast %mul3A_35 : f32 to vector<8x1x256x128xf32>
      %mul3A_37 = arith.mulf %mul3A_36, %get3A_34 : vector<8x1x256x128xf32>
      %exp23A = math.exp2 %mul3A_37 : vector<8x1x256x128xf32>
      %swap3A = arith.constant 0 : index
      %swap3A_38 = arith.constant 0 : index
      %swap3A_39 = arith.constant 0 : index
      %swap3A_40 = arith.constant 0 : index
      %swap3A_41 = vector.load %arg5[%swap3A, %swap3A_38, %swap3A_39, %swap3A_40] : memref<8x1x256x128xf32, #tpu.memory_space<vmem>>, vector<8x1x256x128xf32>
      tpu.vector_store %arg5[%swap3A, %swap3A_38, %swap3A_39, %swap3A_40], %exp23A {strides = array<i32>} : memref<8x1x256x128xf32, #tpu.memory_space<vmem>>, vector<8x1x256x128xf32>,
    } else {
    }
    %get3A = arith.constant 0 : index
    %get3A_2 = arith.constant 0 : index
    %get3A_3 = arith.constant 0 : index
    %get3A_4 = arith.constant 0 : index
    %get3A_5 = vector.load %arg3[%get3A, %get3A_2, %get3A_3, %get3A_4] : memref<8x1x256x128xf32, #tpu.memory_space<vmem>>, vector<8x1x256x128xf32>
    %log3A = math.log %get3A_5 : vector<8x1x256x128xf32>
    %log3A_6 = arith.constant 2.000000e+00 : f32
    %log3A_7 = math.log %log3A_6 : f32
    %div3A = vector.broadcast %log3A_7 : f32 to vector<8x1x256x128xf32>
    %div3A_8 = arith.divf %log3A, %div3A : vector<8x1x256x128xf32>
    %mul3A = arith.mulf %div3A_8, %div3A_8 : vector<8x1x256x128xf32>
    %get3A_9 = arith.constant 0 : index
    %get3A_10 = arith.constant 0 : index
    %get3A_11 = arith.constant 0 : index
    %get3A_12 = arith.constant 0 : index
    %get3A_13 = vector.load %arg5[%get3A_9, %get3A_10, %get3A_11, %get3A_12] : memref<8x1x256x128xf32, #tpu.memory_space<vmem>>, vector<8x1x256x128xf32>
    %div3A_14 = arith.divf %get3A_13, %mul3A : vector<8x1x256x128xf32>
    %reduce_sum3A = arith.constant dense<0.000000e+00> : vector<8x1xf32>
    %reduce_sum3A_15 = vector.multi_reduction <add>, %div3A_14, %reduce_sum3A [2, 3] : vector<8x1x256x128xf32> to vector<8x1xf32>
    %broadcast_in_dim3A = vector.shape_cast %reduce_sum3A_15 : vector<8x1xf32> to vector<8x1x1x1xf32>
    %div3A_16 = arith.constant 1.000000e+00 : f32
    %div3A_17 = vector.broadcast %div3A_16 : f32 to vector<8x1x1x1xf32>
    %div3A_18 = arith.divf %div3A_17, %broadcast_in_dim3A : vector<8x1x1x1xf32>
    %mul3A_19 = vector.broadcast %div3A_18 : vector<8x1x1x1xf32> to vector<8x1x256x128xf32>
    %mul3A_20 = arith.mulf %div3A_14, %mul3A_19 : vector<8x1x256x128xf32>
    %eq3A_21 = arith.constant 0 : i32
    %eq3A_22 = arith.cmpi eq, %arg1, %eq3A_21 : i32
    %convert_element_type3A_23 = arith.extui %eq3A_22 : i1 to i32
    %cond3A_24 = arith.constant 0 : i32
    %cond3A_25 = arith.cmpi ne, %convert_element_type3A_23, %cond3A_24 : i32
    scf.if %cond3A_25 {
      %swap3A = arith.constant 0 : index
      %swap3A_30 = arith.constant 0 : index
      %swap3A_31 = arith.constant 0 : index
      %swap3A_32 = arith.constant 0 : index
      %swap3A_33 = vector.load %arg4[%swap3A, %swap3A_30, %swap3A_31, %swap3A_32] : memref<8x1x256x128xf32, #tpu.memory_space<vmem>>, vector<8x1x256x128xf32>
      tpu.vector_store %arg4[%swap3A, %swap3A_30, %swap3A_31, %swap3A_32], %mul3A_20 {strides = array<i32>} : memref<8x1x256x128xf32, #tpu.memory_space<vmem>>, vector<8x1x256x128xf32>,
    } else {
    }
    %gt3A = arith.constant 0 : i32
    %gt3A_26 = arith.cmpi sgt, %arg1, %gt3A : i32
    %convert_element_type3A_27 = arith.extui %gt3A_26 : i1 to i32
    %cond3A_28 = arith.constant 0 : i32
    %cond3A_29 = arith.cmpi ne, %convert_element_type3A_27, %cond3A_28 : i32
    scf.if %cond3A_29 {
      %get3A_30 = arith.constant 0 : index
      %get3A_31 = arith.constant 0 : index
      %get3A_32 = arith.constant 0 : index
      %get3A_33 = arith.constant 0 : index
      %get3A_34 = vector.load %arg4[%get3A_30, %get3A_31, %get3A_32, %get3A_33] : memref<8x1x256x128xf32, #tpu.memory_space<vmem>>, vector<8x1x256x128xf32>
      %max3A = arith.maximumf %get3A_34, %mul3A_20 : vector<8x1x256x128xf32>
      %swap3A = arith.constant 0 : index
      %swap3A_35 = arith.constant 0 : index
      %swap3A_36 = arith.constant 0 : index
      %swap3A_37 = arith.constant 0 : index
      %swap3A_38 = vector.load %arg4[%swap3A, %swap3A_35, %swap3A_36, %swap3A_37] : memref<8x1x256x128xf32, #tpu.memory_space<vmem>>, vector<8x1x256x128xf32>
      tpu.vector_store %arg4[%swap3A, %swap3A_35, %swap3A_36, %swap3A_37], %max3A {strides = array<i32>} : memref<8x1x256x128xf32, #tpu.memory_space<vmem>>, vector<8x1x256x128xf32>,
    } else {
    }
    return
  }
  func.func @transform_0(%arg0: i32, %arg1: i32) -> (i32, i32, i32, i32) {
    %c0_i32 = arith.constant 0 : i32
    %c0_i32_0 = arith.constant 0 : i32
    %c0_i32_1 = arith.constant 0 : i32
    %c0_i32_2 = arith.constant 0 : i32
    return %arg0, %c0_i32, %c0_i32_0, %c0_i32_1 : i32, i32, i32, i32
  }
  func.func @transform_1(%arg0: i32, %arg1: i32) -> (i32, i32, i32, i32) {
    %c0_i32 = arith.constant 0 : i32
    %c0_i32_0 = arith.constant 0 : i32
    %c0_i32_1 = arith.constant 0 : i32
    return %arg0, %arg1, %c0_i32, %c0_i32_0 : i32, i32, i32, i32
  }
  func.func @transform_2(%arg0: i32, %arg1: i32) -> (i32, i32, i32, i32) {
    %c0_i32 = arith.constant 0 : i32
    %c0_i32_0 = arith.constant 0 : i32
    %c0_i32_1 = arith.constant 0 : i32
    %c0_i32_2 = arith.constant 0 : i32
    return %arg0, %c0_i32, %c0_i32_0, %c0_i32_1 : i32, i32, i32, i32
  }
}

</mosaic_0001>

<sc_bundles>
// kernel: sparse-core-data-format-call.cloned.1.call-start
scs
called_computation_lowered:
.L_overlay_start_0:
0x0: {  	s2 =	sld [smem:$0x3FD9]  }
0x1: {  	s3 =	sld [smem:$0x3FFE];
	_ =	sdelay $0x1  }
0x2: {  	s1 =	srdreg.scid  }
0x3: {  	s0 =	sand.u32 $0x1, s1  }
0x4: {  	s18 =	sshll.u32 s0, $0xA;
	s2 =	sadd.s32 s3, s2  }
0x5: {  	s2 =	sadd.s32 s2, s18  }
0x6: {  	[smem:$0x3FC6] =	sst s2  }
0x7: {  	_ = 	snop  }
0x8: {  	s2 =	sld [smem:$0x3FC8];
	(tm) =	ssettm $0x1  }
0x9: {  	s19 =	sld [smem:$0x3FFB];
	_ =	sdelay $0x3  }
0xa: {  	_ =	strace s19  }
0xb: {  	s3 =	sld [smem:$0x3FFC];
	_ =	sdelay $0x3  }
0xc: {  	_ =	strace s3  }
0xd: {  	s3 =	sld [smem:$0x3FFD];
	_ =	sdelay $0x3  }
0xe: {  	_ =	strace s3  }
0xf: {  	_ =	strace $0x8FFFFFFF  }
0x10: {  	s20 =	sld [smem:$0x3FDB];
	_ =	sdelay $0x1  }
0x11: {  	s4 =	simm.s32 $_scs_section_size  }
0x12: {  	s5 =	simm.s32 $_size__tile_overlayer_lowered;
	s6 =	simm.s32 $_tile_overlayer_lowered  }
0x13: {  	s23 =	simm.s32 $0x1BFF;
	s22 =	sshll.u32 s6, $0x1;
	s3 =	sadd.s32 s4, s20  }
0x14: {  	s7 =	simm.s32 $0x0;
	s21 =	sshll.u32 s5, $0x1;
	s5 =	sadd.s32 s22, s3  }
0x15: {  	[timem:s7], [sflag:s23] =	dma.local [hbm:s5], s21  }
0x16: {  	_ =	swait.ge [sflag:s23], s21  }
0x17: {  	s4 =	ssub.s32 $0x0, s21;
	[sflag:s23] =	ssyncset.done $0x0  }
0x18: {  	[sflag:s23] =	ssyncadd.s32 s4;
	_ =	sdelay $0x1  }
0x19: {  	s24 =	simm.s32 $0x1B8B  }
0x1a: {  	_ =	swait.ge [sflag:s24], $0x1  }
0x1b: {  	[sflag:s24] =	ssyncset.done $0x0  }
0x1c: {  	s26 =	simm.s32 $0x1B8E;
	s25 =	sld [smem:$0x3FFE];
	[sflag:s24] =	ssyncadd.s32 $0xFFFFFFFF  }
0x1d: {  	s27 =	simm.s32 $execute0_lowered;
	[smem:$0x3FD2] =	sst s26  }
0x1e: {  	s5 =	sshll.u32 s27, $0x1;
	_ =	strace $0x80000046;
	[dreg:$0x1] =	wrdreg $0xFFFFFFFF  }
0x1f: {  	s28 =	simm.s32 $_size_execute0_lowered;
	s3 =	sadd.s32 s3, s5;
	[dreg:$0x0] =	wrdreg $0x0  }
0x20: {  	s5 =	sshll.u32 s28, $0x1;
	[dreg:$0x2] =	wrdreg s3  }
0x21: {  	[dreg:$0x3] =	wrdreg s5  }
0x22: {  	[dreg:$0x4] =	wrdreg $0xC0  }
0x23: {  	_ =	task [dreg:s7], $0x5FFFF  }
0x24: {  	[dreg:$0x1] =	wrdreg $0xFFFFFFFF  }
0x25: {  	[dreg:$0x0] =	wrdreg $0x60  }
0x26: {  	[dreg:$0x2] =	wrdreg s2  }
0x27: {  	[dreg:$0x3] =	wrdreg s25  }
0x28: {  	[dreg:$0x4] =	wrdreg $0x9  }
0x29: {  	_ =	task.clear_ibuf [dreg:s7], $0x5FFFF;
	_ =	strace $0x90000046  }
0x2a: {  	s29 =	simm.s32 $0x9;
	_ =	strace $0x80000048  }
0x2b: {  	_ =	swait.ge [sflag:s29], $0x1  }
0x2c: {  	[sflag:s29] =	ssyncadd.s32 $0xFFFFFFFF  }
0x2d: {  	_ =	strace $0x90000048  }
0x2e: {  	_ =	sfence  }
0x2f: {  	s30 =	sld [smem:$0x0];
	_ =	sdelay $0x2  }
0x30: {  	s31 =	sshll.u32 s1, $0xD;
	s1 =	sshrl.u32 s1, $0x2  }
0x31: {  	s3 =	sand.u32 $0x4000, s31;
	s1 =	sadd.s32 s1, s30  }
0x32: {  	s0 =	sor.u32 s3, s0;
	s1 =	sshll.u32 s1, $0x11  }
0x33: {  	s0 =	sor.u32 s1, s0  }
0x34: {  	s0 =	sadd.s32 $0x8F2B, s0  }
0x35: {  	[sflag:s0] =	ssyncadd.remote.s32 $0x1  }
0x36: {  	_ =	sfence.sel $0xFFFF  }
0x37: {  	[dreg:$0x0] =	wrdreg $0xFFFFFFFF;
	(pc) =	sbr.abs _section_cstart, $3  }
0x38: {  	[dreg:$0x1] =	wrdreg $0xFFFFFFFF  }
0x39: {  	_ =	task.clear_ibuf [dreg:s7], $0x2FFFF;
	_ =	strace $0x9FFFFFFF  }
0x3a: {  	(tm) =	ssettm $0x7FFFFFFF  }
0x3b: {  	_ =	shalt  }
tec
execute0_lowered:
.L_overlay_start_1:
0x0: {  	(tag) =	ssettag $0x1  }
0x1: {  	s0 =	stileid.u32  }
0x2: {  	s1 =	srdreg.scid;
	s7 =	rddreg [dreg:$0x0]  }
0x3: {  	s4 =	rddreg [dreg:$0x1];
	s30 =	simm.s32 $0x2;
	s14 =	simm.s32 $0x0  }
0x4: {  	s10 =	simm.s32 $0x8000;
	s2 =	sshll.u32 s0, $0x3;
	s1 =	sshll.u32 s1, $0x7  }
0x5: {  	s11 =	simm.s32 $0x0;
	s15 =	simm.s32 $0x0;
	s1 =	sor.u32 s2, s1  }
0x6: {  	s13 =	simm.s32 $0x0;
	s3 =	sand.u32 $0x1, s0;
	s2 =	sand.u32 $0xF0, s1  }
0x7: {  	s4 =	sadd.s32 $0x600, s4;
	s6 =	ssub.s32 $0x50, s3;
	s5 =	ssub.s32 $0x100, s2  }
0x8: {  	s12 =	smov.u32 s3;
	s9 =	sshrl.u32 s6, $0x1;
	s8 =	sand.u32 $0xF0, s5  }
0x9: {  	s6 =	sand.u32 $0x1, s6;
	p0 =	sne.s32 s8, $0x0;
	s8 =	simm.s32 $0x1  }
.Ltmp0:
0xa: {  	s5 =	sshrl.u32 s5, $0x8;
	s8 =	simm.s32 @!p0 $0x0;
	(pc) =	sbr.rel .LBB1_1-.Ltmp0, $4  }
0xb: {  	s1 =	rddreg [dreg:$0x2];
	s6 =	sadd.s32 s6, s9;
	s8 =	sadd.s32 s8, s5  }
0xc: {  	_ =	strace $0x80000047;
	s5 =	simm.s32 $0x1;
	s6 =	smul.u32 s6, s8  }
0xd: {  	s31 =	sshll.u32 s2, $0x7;
	s9 =	simm.s32 $0x800;
	[sflag:s5] =	ssyncpa.u1 $0x0  }
0xe: {  	s7 =	sadd.s32 s7, s31;
	[sflag:s30] =	ssyncpa.u1 $0x0;
	s8 =	sadd.s32 $0x1, s6  }
.LBB1_7:
0xf: {  	s16 =	sadd.s32 $0x2, s12  }
0x10: {  	p1 =	sgt.s32 s16, $0x4F  }
0x11: {  	s16 =	smov.u32 @p1 s3;
	p1 =	sne.s32 s13, s8  }
.Ltmp1:
0x12: {  	p0 =	slt.u32 s13, $0x2;
	(pc) =	sbr.rel @!p1 .LBB1_8-.Ltmp1, $4  }
0x13: {  	s14 =	simm.s32 @!p0 $0x2  }
0x14: {  	s17 =	sadd.s32 $0x1, s13;
	s15 =	smov.u32 s12;
	_ =	swait.ge @!p0 [sflag:s14], $0x4000  }
0x15: {  	s11 =	sadd.s32 $0x4000, s11;
	s13 =	smov.u32 s17;
	[sflag:s14] =	ssyncset.done @!p0 $0x0  }
0x16: {  	s12 =	smov.u32 s16;
	[sflag:s14] =	ssyncadd.s32 @!p0 $0xFFFFC000;
	s14 =	smov.u32 s2  }
.LBB1_1:
0x17: {  	p0 =	sge.u32 s13, s6  }
0x18: {  	s16 =	sxor.u32 @!p0 $0xFFFFFFFF, s13  }
0x19: {  	s31 =	sadd.s32 $0xFFFFFFFF, s13;
	s17 =	sshll.u32 @!p0 s12, $0xF;
	s16 =	sshll.u32 @!p0 s16, $0xE  }
0x1a: {  	s18 =	simm.s32 @!p0 $0x0;
	s17 =	sadd.s32 @!p0 s17, s7;
	s16 =	sand.u32 @!p0 $0x4000, s16  }
0x1b: {  	[tilespmem:s16], [sflag:$0x1] =	stream.linear.gather @!p0 [hbm4b:s17+s18], $0x4000, $0x38;
	[tilespmem:$0x10000] =	vst v63  }
0x1c: {  	p0 =	sge.u32 s31, s6  }
.Ltmp2:
0x1d: {  	_ = 	snop;
	(pc) =	sbr.rel @p0 .LBB1_7-.Ltmp2, $1  }
0x1e: {  	_ =	sdelay $0x3  }
0x1f: {  	s17 =	sand.u32 $0x4000, s11  }
0x20: {  	_ =	swait.ge [sflag:s5], $0x4000;
	s19 =	sshll.u32 s13, $0xE;
	s16 =	sor.u32 $0x8040, s17  }
0x21: {  	s18 =	sor.u32 $0x40, s17;
	[sflag:s5] =	ssyncset.done $0x0;
	s31 =	sand.u32 $0x4000, s19  }
0x22: {  	s19 =	simm.s32 $0x0;
	[sflag:s5] =	ssyncadd.s32 $0xFFFFC000;
	s17 =	sor.u32 $0x8000, s31  }
.LBB1_3:
0x23: {  	v0 =	vmov s18;
	_ =	sdelay $0x3  }
0x24: {  	s21 =	simm.s32 $0x0  }
0x25: {  	v6 =	vld.idx.msk [tilespmem:v0+s21+$0x30 ss:$0x1], $0xffff  }
0x26: {  	v7 =	vld.idx.msk [tilespmem:v0+s21+$0xFFFFFFC0 ss:$0x1], $0xffff  }
0x27: {  	v5 =	vld.idx.msk [tilespmem:v0+s21+$0xFFFFFFD0 ss:$0x1], $0xffff  }
0x28: {  	v4 =	vld.idx.msk [tilespmem:v0+s21+$0xFFFFFFE0 ss:$0x1], $0xffff  }
0x29: {  	v3 =	vld.idx.msk [tilespmem:v0+s21+$0xFFFFFFF0 ss:$0x1], $0xffff  }
0x2a: {  	v1 =	vld.idx.msk [tilespmem:v0+s21+$0x0 ss:$0x1], $0xffff  }
0x2b: {  	v2 =	vld.idx.msk [tilespmem:v0+s21+$0x10 ss:$0x1], $0xffff;
	[tilespmem:s16+$0x30] =	vst v6  }
0x2c: {  	s20 =	simm.s32 $0x80;
	s22 =	simm.s32 $0x400;
	[tilespmem:s16+$0xFFFFFFC0] =	vst v7;
	v6 =	vld.idx.msk [tilespmem:v0+s21+$0x20 ss:$0x1], $0xffff;
	s21 =	smov.u32 s16  }
.LBB1_4:
0x2d: {  	p0 =	sne.s32 s22, $0xE00;
	v7 =	vld.idx.msk [tilespmem:v0+s20+$0x30 ss:$0x1], $0xffff;
	[tilespmem:s21+$0xFFFFFFD0] =	vst v5  }
0x2e: {  	v8 =	vld.idx.msk [tilespmem:v0+s20+$0xFFFFFFC0 ss:$0x1], $0xffff;
	[tilespmem:s21+$0xFFFFFFE0] =	vst v4  }
0x2f: {  	v5 =	vld.idx.msk [tilespmem:v0+s20+$0xFFFFFFD0 ss:$0x1], $0xffff;
	[tilespmem:s21+$0xFFFFFFF0] =	vst v3  }
.Ltmp3:
0x30: {  	v4 =	vld.idx.msk [tilespmem:v0+s20+$0xFFFFFFE0 ss:$0x1], $0xffff;
	[tilespmem:s21+$0x0] =	vst v1;
	(pc) =	sbr.rel @p0 .LBB1_4-.Ltmp3, $4  }
0x31: {  	v3 =	vld.idx.msk [tilespmem:v0+s20+$0xFFFFFFF0 ss:$0x1], $0xffff;
	[tilespmem:s21+$0x10] =	vst v2  }
0x32: {  	v1 =	vld.idx.msk [tilespmem:v0+s20+$0x0 ss:$0x1], $0xffff;
	[tilespmem:s21+$0x20] =	vst v6;
	s21 =	sadd.s32 $0x800, s21  }
0x33: {  	v2 =	vld.idx.msk [tilespmem:v0+s20+$0x10 ss:$0x1], $0xffff;
	[tilespmem:s21+$0x30] =	vst v7  }
0x34: {  	[tilespmem:s21+$0xFFFFFFC0] =	vst v8;
	v6 =	vld.idx.msk [tilespmem:v0+s20+$0x20 ss:$0x1], $0xffff;
	s20 =	sshra.s32 s22, $0x2;
	s22 =	sadd.s32 $0x200, s22  }
0x35: {  	_ =	sdelay $0x2  }
0x36: {  	[tilespmem:s21+$0xFFFFFFD0] =	vst v5  }
0x37: {  	v56 =	vld.idx.msk [tilespmem:v0+s20+$0x30 ss:$0x1], $0xffff;
	[tilespmem:s21+$0xFFFFFFE0] =	vst v4  }
0x38: {  	v57 =	vld.idx.msk [tilespmem:v0+s20+$0xFFFFFFC0 ss:$0x1], $0xffff;
	[tilespmem:s21+$0xFFFFFFF0] =	vst v3  }
0x39: {  	v58 =	vld.idx.msk [tilespmem:v0+s20+$0xFFFFFFD0 ss:$0x1], $0xffff;
	[tilespmem:s21+$0x0] =	vst v1  }
0x3a: {  	v59 =	vld.idx.msk [tilespmem:v0+s20+$0xFFFFFFE0 ss:$0x1], $0xffff;
	[tilespmem:s21+$0x10] =	vst v2  }
0x3b: {  	v60 =	vld.idx.msk [tilespmem:v0+s20+$0xFFFFFFF0 ss:$0x1], $0xffff;
	s31 =	sadd.s32 $0x800, s21;
	[tilespmem:s21+$0x20] =	vst v6  }
0x3c: {  	v61 =	vld.idx.msk [tilespmem:v0+s20+$0x0 ss:$0x1], $0xffff;
	[tilespmem:s31+$0x30] =	vst v56  }
0x3d: {  	v62 =	vld.idx.msk [tilespmem:v0+s20+$0x10 ss:$0x1], $0xffff;
	s19 =	sadd.s32 $0x1, s19;
	[tilespmem:s31+$0xFFFFFFC0] =	vst v57  }
0x3e: {  	v63 =	vld.idx.msk [tilespmem:v0+s20+$0x20 ss:$0x1], $0xffff;
	p0 =	sne.s32 s19, $0x10;
	[tilespmem:s31+$0xFFFFFFD0] =	vst v58  }
.Ltmp4:
0x3f: {  	[tilespmem:s31+$0xFFFFFFE0] =	vst v59;
	(pc) =	sbr.rel @p0 .LBB1_3-.Ltmp4, $4  }
0x40: {  	[tilespmem:s31+$0xFFFFFFF0] =	vst v60  }
0x41: {  	[tilespmem:s31+$0x0] =	vst v61  }
0x42: {  	[tilespmem:s31+$0x10] =	vst v62  }
0x43: {  	s16 =	sadd.s32 $0x80, s16;
	s18 =	sadd.s32 $0x400, s18;
	[tilespmem:s31+$0x20] =	vst v63  }
.Ltmp5:
0x44: {  	(pc) =	sbr.rel .LBB1_7-.Ltmp5, $4  }
0x45: {  	s15 =	sshll.u32 s15, $0xF  }
0x46: {  	s14 =	sshll.u32 s14, $0x4;
	s15 =	sadd.s32 s4, s15  }
0x47: {  	s14 =	sadd.s32 s14, s15  }
0x48: {  	[hbm4b:s14+s9] =	stream.strided.scatter [tilespmem:s17], [sflag:$0x2], $0x4000, s10, s9, $0x38;
	[tilespmem:$0x10000] =	vst v63  }
.LBB1_8:
0x49: {  	_ =	sfence.sel $0x180000  }
0x4a: {  	s2 =	simm.s32 $0x1;
	[bflag:$0x0] =	sbarrier.arrive $0xFFFF  }
0x4b: {  	s31 =	simm.s32 $0x2;
	[sflag:s2] =	ssyncpa.u1 $0x1  }
0x4c: {  	[sflag:s31] =	ssyncpa.u1 $0x1  }
0x4d: {  	p0 =	sne.s32 s0, $0x0;
	_ =	strace $0x90000047  }
0x4e: {  	s0 =	sadd.s32 @!p0 $0x100000, s1;
	[bflag:$0x2] =	sbarrier.arrive $0xFFFF  }
0x4f: {  	[sflag:s0] =	ssyncadd.tile.s32 @!p0 $0x1;
	_ =	shalt  }
.Lfunc_end1:
_tile_overlayer_lowered:
.L_overlay_start_2:
0x50: {  	(tag) =	ssettag $0x2  }
0x51: {  	s0 =	rddreg [dreg:$0x0];
	s2 =	stileid.u32  }
0x52: {  	s1 =	rddreg [dreg:$0x1];
	p0 =	sne.s32 s2, $0x0  }
0x53: {  	s3 =	rddreg [dreg:$0x2];
	[bflag:$0x3] =	sbarrier.arrive $0xFFFF;
	s2 =	simm.s32 @!p0 $0x1C01  }
0x54: {  	[timem:s3], [sflag:s2] =	dma.local @!p0 [hbm:s0], s1  }
0x55: {  	s0 =	simm.s32 @!p0 $0x1  }
0x56: {  	_ =	swait.ge @!p0 [sflag:s0], s1  }
0x57: {  	s1 =	ssub.s32 @!p0 $0x0, s1;
	[sflag:s0] =	ssyncset.done @!p0 $0x0  }
0x58: {  	[sflag:s0] =	ssyncadd.s32 @!p0 s1  }
0x59: {  	[bflag:$0x3] =	sbarrier.arrive $0xFFFF  }
0x5a: {  	_ =	shalt  }

</sc_bundles>
